<compile_context>
chip_gen: v7x
topology: tpu7x:2x2x1
jax: 0.10.2.dev20260603
libtpu: 0.0.44.dev20260713+nightly
codegen_flags: <defaults>
</compile_context>

<pallas_src>
import functools

import jax
import jax.numpy as jnp
from jax import lax
from jax.experimental import pallas as pl
from jax.experimental.pallas import tpu as pltpu
from jax.experimental.pallas import tpu_sc as plsc

_SCALE = 1.0 / 0.6


def _pick_block(e: int) -> int:
    for cand in (3200, 2560, 2000, 1600, 1280, 800, 640, 400, 320, 160, 80, 40, 8):
        if e % cand == 0:
            return cand
    return e


def _score_kernel(emb_ref, rbf_ref, dvec_ref, w1_ref, w2_ref, wrbf_ref,
                  wout_ref, w_out_ref):
    h = jnp.dot(emb_ref[:], w1_ref[:], preferred_element_type=jnp.float32)
    h = jax.nn.silu(h) * _SCALE
    h = jnp.dot(h, w2_ref[:], preferred_element_type=jnp.float32)
    r = jnp.dot(rbf_ref[:], wrbf_ref[:], preferred_element_type=jnp.float32)
    s = jnp.dot(h * r, wout_ref[:], preferred_element_type=jnp.float32)
    d = dvec_ref[:]
    nsq = jnp.sum(d * d, axis=1, keepdims=True)
    w_out_ref[:] = s / jnp.sqrt(nsq)


def _make_sc_reduce(e: int, n: int, bsz: int, nw: int, chunk: int):
    e_per_w = e // nw
    nchunks = e_per_w // chunk
    nvec = chunk // 16
    nslots = 16 * bsz
    npay = 10

    mesh = plsc.VectorSubcoreMesh(core_axis_name="c", subcore_axis_name="s")

    @functools.partial(
        pl.kernel, mesh=mesh,
        out_type=jax.ShapeDtypeStruct((nw, npay * nslots), jnp.float32),
        scratch_types=[
            pltpu.VMEM((n,), jnp.int32),
            pltpu.VMEM((chunk,), jnp.int32),
            pltpu.VMEM((chunk,), jnp.float32),
            pltpu.VMEM((chunk,), jnp.float32),
            pltpu.VMEM((chunk,), jnp.float32),
            pltpu.VMEM((chunk,), jnp.float32),
            pltpu.VMEM((npay * nslots,), jnp.float32),
        ],
        compiler_params=pltpu.CompilerParams(needs_layout_passes=False),
    )
    def sc_reduce(src_hbm, w_hbm, d0_hbm, d1_hbm, d2_hbm, batch_hbm, out_hbm,
                  batch_v, src_v, w_v, d0_v, d1_v, d2_v, acc_v):
        wid = lax.axis_index("s") * 2 + lax.axis_index("c")
        base = wid * e_per_w
        pltpu.sync_copy(batch_hbm, batch_v)

        zeros16 = jnp.zeros((16,), jnp.float32)
        ones16 = jnp.ones((16,), jnp.float32)
        iota16 = lax.iota(jnp.int32, 16)

        def _zero(j, carry):
            acc_v[pl.ds(j * 16, 16)] = zeros16
            return carry
        lax.fori_loop(0, (npay * nslots) // 16, _zero, 0)

        def _chunk(c, carry):
            off = base + c * chunk
            pltpu.sync_copy(src_hbm.at[pl.ds(off, chunk)], src_v)
            pltpu.sync_copy(w_hbm.at[pl.ds(off, chunk)], w_v)
            pltpu.sync_copy(d0_hbm.at[pl.ds(off, chunk)], d0_v)
            pltpu.sync_copy(d1_hbm.at[pl.ds(off, chunk)], d1_v)
            pltpu.sync_copy(d2_hbm.at[pl.ds(off, chunk)], d2_v)

            def _vec(j, carry2):
                sl = pl.ds(j * 16, 16)
                srcj = src_v[sl]
                wj = w_v[sl]
                a0 = d0_v[sl]
                a1 = d1_v[sl]
                a2 = d2_v[sl]
                g = plsc.load_gather(batch_v, [srcj])
                gl = g * 16 + iota16
                dw0 = a0 * wj
                dw1 = a1 * wj
                dw2 = a2 * wj
                payloads = (dw0 * a0, dw0 * a1, dw0 * a2,
                            dw1 * a0, dw1 * a1, dw1 * a2,
                            dw2 * a0, dw2 * a1, dw2 * a2,
                            ones16)
                for k, v in enumerate(payloads):
                    plsc.addupdate_scatter(acc_v, [gl + k * nslots], v)
                return carry2
            lax.fori_loop(0, nvec, _vec, 0)
            return carry
        lax.fori_loop(0, nchunks, _chunk, 0)

        pltpu.sync_copy(acc_v, out_hbm.at[wid])

    return sc_reduce


def kernel(edge_emb, edge_index, distance_vec, lattice, batch, rbf, W1, W2, W_rbf, W_out):
    e, d_dim = edge_emb.shape
    n = batch.shape[0]
    bsz = lattice.shape[0]
    r_dim = rbf.shape[1]
    blk = _pick_block(e)
    grid = (e // blk,)

    batch_i32 = batch.astype(jnp.int32)
    src_i32 = edge_index[0].astype(jnp.int32)
    wout_col = W_out.astype(jnp.float32).reshape(d_dim, 1)
    dt = distance_vec.T

    w_edge = pl.pallas_call(
        _score_kernel,
        grid=grid,
        in_specs=[
            pl.BlockSpec((blk, d_dim), lambda i: (i, 0)),
            pl.BlockSpec((blk, r_dim), lambda i: (i, 0)),
            pl.BlockSpec((blk, 3), lambda i: (i, 0)),
            pl.BlockSpec((d_dim, d_dim), lambda i: (0, 0)),
            pl.BlockSpec((d_dim, d_dim), lambda i: (0, 0)),
            pl.BlockSpec((r_dim, d_dim), lambda i: (0, 0)),
            pl.BlockSpec((d_dim, 1), lambda i: (0, 0)),
        ],
        out_specs=pl.BlockSpec((blk, 1), lambda i: (i, 0)),
        out_shape=jax.ShapeDtypeStruct((e, 1), jnp.float32),
    )(edge_emb, rbf, distance_vec, W1, W2, W_rbf, wout_col)

    sc_reduce = _make_sc_reduce(e, n, bsz, nw=32, chunk=2000)
    partials = sc_reduce(src_i32, w_edge.reshape(e), dt[0], dt[1], dt[2],
                         batch_i32)

    res = partials.sum(axis=0).reshape(10, bsz, 16).sum(-1)
    cnt = res[9]
    lat = jnp.where(cnt > 0, res[:9] / cnt, 0.0).T.reshape(bsz, 3, 3)
    return 0.5 * (lat + jnp.swapaxes(lat, 1, 2))

# --- scband reference (transcript-rebuilt; emitter-appended) ---
"""Pipeline reference for scband-gem-net-t-48404281426065 (READ-ONLY COPY).

The authoritative reference and input builder live on the scoring server;
editing this copy changes nothing except your own understanding.
"""

import jax, jax.numpy as jnp
import numpy as np

SCALE = 1.0 / 0.6  # GemNet ScaledSiLU scale factor for activation='swish'

def scaled_silu(x):
    return jax.nn.silu(x) * SCALE

def setup_inputs(seed: int = 0) -> dict:
    key = jax.random.key(seed)
    ks = jax.random.split(key, 10)
    E = 320000
    N = 10000
    B = 32
    D = 128
    R = 16
    edge_emb = jax.random.normal(ks[0], (E, D), dtype=jnp.float32)
    edge_index = jax.random.randint(ks[1], (2, E), 0, N).astype(jnp.int64)
    distance_vec = jax.random.normal(ks[2], (E, 3), dtype=jnp.float32)
    lattice = jax.random.normal(ks[3], (B, 3, 3), dtype=jnp.float32)
    batch = jnp.sort(jax.random.randint(ks[4], (N,), 0, B)).astype(jnp.int64)
    rbf = jax.random.uniform(ks[5], (E, R), dtype=jnp.float32)
    # learned parameters (GemNet Dense layers default to bias=False)
    W1 = jax.random.normal(ks[6], (D, D), dtype=jnp.float32) * 0.05      # mlp[0]
    W2 = jax.random.normal(ks[7], (D, D), dtype=jnp.float32) * 0.05      # mlp[1]
    W_rbf = jax.random.normal(ks[8], (R, D), dtype=jnp.float32) * 0.05   # dense_rbf_F
    W_out = jax.random.normal(ks[9], (D, 1), dtype=jnp.float32) * 0.05   # out_forces (num_heads=1)
    return {
        "edge_emb": edge_emb,
        "edge_index": edge_index,
        "distance_vec": distance_vec,
        "lattice": lattice,
        "batch": batch,
        "rbf": rbf,
        "W1": W1,
        "W2": W2,
        "W_rbf": W_rbf,
        "W_out": W_out,
    }

def reference(edge_emb, edge_index, distance_vec, lattice, batch, rbf, W1, W2, W_rbf, W_out):
    B = lattice.shape[0]
    E = edge_index.shape[1]
    # compute_score_per_edge
    x_F = scaled_silu(edge_emb @ W1)
    x_F = x_F @ W2
    rbf_emb_F = rbf @ W_rbf
    x_F_rbf = x_F * rbf_emb_F
    edge_scores = x_F_rbf @ W_out  # [E, num_heads=1]
    # normalize_score=True: divide by number of edges per graph
    batch_edge = batch[edge_index[0]]  # graph id per edge (via source node)
    num_edges = jax.ops.segment_sum(jnp.ones((E,), edge_scores.dtype), batch_edge, num_segments=B)
    edge_scores = edge_scores / num_edges[batch_edge][:, None]
    # edge_score_to_lattice_score_frac_symmetric for each head, then stack+sum
    outs = []
    for i in range(1):  # num_heads = 1
        s = edge_scores[:, i]
        norm = jnp.linalg.norm(distance_vec, axis=-1, keepdims=True)
        unit = distance_vec / norm
        # symmetric outer-product score per edge, scatter-added per graph
        outer = s[:, None, None] * (unit[:, :, None] * distance_vec[:, None, :])  # [E,3,3]
        lat = jax.ops.segment_sum(outer, batch_edge, num_segments=B)  # [B,3,3]
        lat = 0.5 * (lat + jnp.swapaxes(lat, 1, 2))
        outs.append(lat)
    out = jnp.stack(outs, axis=-1).sum(-1)
    return out

if __name__ == "__main__":
    import jax
    _d = setup_inputs()
    print(jax.jit(kernel)(*tuple(_d.values())))

</pallas_src>

<mosaic_0001>
#map = affine_map<(d0, d1) -> (0)>
#map1 = affine_map<(d0, d1) -> (0, 0)>
module attributes {stable_mosaic.version = 14 : i64} {
  func.func @sc_reduce(%arg0: i32, %arg1: i32, %arg2: memref<320000xi32, #tpu.memory_space<hbm>>, %arg3: memref<320000xf32, #tpu.memory_space<hbm>>, %arg4: memref<320000xf32, #tpu.memory_space<hbm>>, %arg5: memref<320000xf32, #tpu.memory_space<hbm>>, %arg6: memref<320000xf32, #tpu.memory_space<hbm>>, %arg7: memref<10000xi32, #tpu.memory_space<hbm>>, %arg8: memref<32x5120xf32, #tpu.memory_space<hbm>>, %arg9: memref<10000xi32, #tpu.memory_space<vmem>>, %arg10: memref<2000xi32, #tpu.memory_space<vmem>>, %arg11: memref<2000xf32, #tpu.memory_space<vmem>>, %arg12: memref<2000xf32, #tpu.memory_space<vmem>>, %arg13: memref<2000xf32, #tpu.memory_space<vmem>>, %arg14: memref<2000xf32, #tpu.memory_space<vmem>>, %arg15: memref<5120xf32, #tpu.memory_space<vmem>>) attributes {dimension_semantics = [#tpu.dimension_semantics<core_parallel>, #tpu.dimension_semantics<subcore_parallel>], iteration_bounds = array<i64: 2, 16>, scalar_prefetch = 0 : i64, scratch_operands = 7 : i64, tpu.core_type = #tpu.core_type<sc_vector_subcore>, window_params = [{transform_indices = #map}, {transform_indices = #map}, {transform_indices = #map}, {transform_indices = #map}, {transform_indices = #map}, {transform_indices = #map}, {transform_indices = #map1}]} {
    %mul3A = arith.constant 2 : i32
    %mul3A_0 = arith.muli %arg1, %mul3A : i32
    %add3A = arith.addi %mul3A_0, %arg0 : i32
    %mul3A_1 = arith.constant 10000 : i32
    %mul3A_2 = arith.muli %add3A, %mul3A_1 : i32
    "tpu.region"() ({
      %run_scoped3A = tpu.sem_alloc : memref<!tpu.dma_semaphore, #tpu.memory_space<semaphore_mem>>
      tpu.enqueue_dma source(%arg7 : memref<10000xi32, #tpu.memory_space<hbm>>) target(%arg9 : memref<10000xi32, #tpu.memory_space<vmem>>) target_semaphore(%run_scoped3A : memref<!tpu.dma_semaphore, #tpu.memory_space<semaphore_mem>>)
      tpu.wait_dma2 semaphore(%run_scoped3A : memref<!tpu.dma_semaphore, #tpu.memory_space<semaphore_mem>>) src(%arg7 : memref<10000xi32, #tpu.memory_space<hbm>>) dst(%arg9 : memref<10000xi32, #tpu.memory_space<vmem>>)
      tpu.yield
    }) : () -> ()
    %broadcast_in_dim3A = arith.constant 0.000000e+00 : f32
    %broadcast_in_dim3A_3 = vector.broadcast %broadcast_in_dim3A : f32 to vector<16xf32>
    %broadcast_in_dim3A_4 = arith.constant 1.000000e+00 : f32
    %broadcast_in_dim3A_5 = vector.broadcast %broadcast_in_dim3A_4 : f32 to vector<16xf32>
    %iota3A = tpu.iota {dimensions = array<i32: 0>} : vector<16xi32>
    %scan3A = arith.constant 0 : i32
    %scan3A_6 = arith.constant 0 : i32
    %scan3A_7 = arith.constant 320 : i32
    %scan3A_8 = arith.addi %scan3A_6, %scan3A_7 : i32
    %scan3A_9 = arith.constant 1 : i32
    scf.for %scan3A_17 = %scan3A_6 to %scan3A_8 step %scan3A_9  : i32 {
      %mul3A_18 = arith.constant 16 : i32
      %mul3A_19 = arith.muli %scan3A_17, %mul3A_18 : i32
      %swap3A = arith.index_cast %mul3A_19 : i32 to index
      %swap3A_20 = tpu.vector_load %arg15[%swap3A] {strides = array<i32>} : memref<5120xf32, #tpu.memory_space<vmem>>, vector<16xf32>,
      tpu.vector_store %arg15[%swap3A], %broadcast_in_dim3A_3 {strides = array<i32>} : memref<5120xf32, #tpu.memory_space<vmem>>, vector<16xf32>,
    }
    %scan3A_10 = arith.constant 320 : i32
    %scan3A_11 = arith.constant 0 : i32
    %scan3A_12 = arith.constant 0 : i32
    %scan3A_13 = arith.constant 5 : i32
    %scan3A_14 = arith.addi %scan3A_12, %scan3A_13 : i32
    %scan3A_15 = arith.constant 1 : i32
    scf.for %scan3A_17 = %scan3A_12 to %scan3A_14 step %scan3A_15  : i32 {
      %mul3A_18 = arith.constant 2000 : i32
      %mul3A_19 = arith.muli %scan3A_17, %mul3A_18 : i32
      %add3A_20 = arith.addi %mul3A_2, %mul3A_19 : i32
      "tpu.region"() ({
        %run_scoped3A = tpu.sem_alloc : memref<!tpu.dma_semaphore, #tpu.memory_space<semaphore_mem>>
        %dma_start3A = tpu.memref_slice %arg2[%add3A_20] : memref<320000xi32, #tpu.memory_space<hbm>> -> memref<2000xi32, #tpu.memory_space<hbm>>
        %dma_start3A_27 = tpu.memref_slice %arg2[%add3A_20] : memref<320000xi32, #tpu.memory_space<hbm>> -> memref<2000xi32, #tpu.memory_space<hbm>>
        tpu.enqueue_dma source(%dma_start3A_27 : memref<2000xi32, #tpu.memory_space<hbm>>) target(%arg10 : memref<2000xi32, #tpu.memory_space<vmem>>) target_semaphore(%run_scoped3A : memref<!tpu.dma_semaphore, #tpu.memory_space<semaphore_mem>>)
        %dma_wait3A = tpu.memref_slice %arg2[%add3A_20] : memref<320000xi32, #tpu.memory_space<hbm>> -> memref<2000xi32, #tpu.memory_space<hbm>>
        %dma_wait3A_28 = tpu.memref_slice %arg2[%add3A_20] : memref<320000xi32, #tpu.memory_space<hbm>> -> memref<2000xi32, #tpu.memory_space<hbm>>
        tpu.wait_dma2 semaphore(%run_scoped3A : memref<!tpu.dma_semaphore, #tpu.memory_space<semaphore_mem>>) src(%dma_wait3A_28 : memref<2000xi32, #tpu.memory_space<hbm>>) dst(%arg10 : memref<2000xi32, #tpu.memory_space<vmem>>)
        tpu.yield
      }) : () -> ()
      "tpu.region"() ({
        %run_scoped3A = tpu.sem_alloc : memref<!tpu.dma_semaphore, #tpu.memory_space<semaphore_mem>>
        %dma_start3A = tpu.memref_slice %arg3[%add3A_20] : memref<320000xf32, #tpu.memory_space<hbm>> -> memref<2000xf32, #tpu.memory_space<hbm>>
        %dma_start3A_27 = tpu.memref_slice %arg3[%add3A_20] : memref<320000xf32, #tpu.memory_space<hbm>> -> memref<2000xf32, #tpu.memory_space<hbm>>
        tpu.enqueue_dma source(%dma_start3A_27 : memref<2000xf32, #tpu.memory_space<hbm>>) target(%arg11 : memref<2000xf32, #tpu.memory_space<vmem>>) target_semaphore(%run_scoped3A : memref<!tpu.dma_semaphore, #tpu.memory_space<semaphore_mem>>)
        %dma_wait3A = tpu.memref_slice %arg3[%add3A_20] : memref<320000xf32, #tpu.memory_space<hbm>> -> memref<2000xf32, #tpu.memory_space<hbm>>
        %dma_wait3A_28 = tpu.memref_slice %arg3[%add3A_20] : memref<320000xf32, #tpu.memory_space<hbm>> -> memref<2000xf32, #tpu.memory_space<hbm>>
        tpu.wait_dma2 semaphore(%run_scoped3A : memref<!tpu.dma_semaphore, #tpu.memory_space<semaphore_mem>>) src(%dma_wait3A_28 : memref<2000xf32, #tpu.memory_space<hbm>>) dst(%arg11 : memref<2000xf32, #tpu.memory_space<vmem>>)
        tpu.yield
      }) : () -> ()
      "tpu.region"() ({
        %run_scoped3A = tpu.sem_alloc : memref<!tpu.dma_semaphore, #tpu.memory_space<semaphore_mem>>
        %dma_start3A = tpu.memref_slice %arg4[%add3A_20] : memref<320000xf32, #tpu.memory_space<hbm>> -> memref<2000xf32, #tpu.memory_space<hbm>>
        %dma_start3A_27 = tpu.memref_slice %arg4[%add3A_20] : memref<320000xf32, #tpu.memory_space<hbm>> -> memref<2000xf32, #tpu.memory_space<hbm>>
        tpu.enqueue_dma source(%dma_start3A_27 : memref<2000xf32, #tpu.memory_space<hbm>>) target(%arg12 : memref<2000xf32, #tpu.memory_space<vmem>>) target_semaphore(%run_scoped3A : memref<!tpu.dma_semaphore, #tpu.memory_space<semaphore_mem>>)
        %dma_wait3A = tpu.memref_slice %arg4[%add3A_20] : memref<320000xf32, #tpu.memory_space<hbm>> -> memref<2000xf32, #tpu.memory_space<hbm>>
        %dma_wait3A_28 = tpu.memref_slice %arg4[%add3A_20] : memref<320000xf32, #tpu.memory_space<hbm>> -> memref<2000xf32, #tpu.memory_space<hbm>>
        tpu.wait_dma2 semaphore(%run_scoped3A : memref<!tpu.dma_semaphore, #tpu.memory_space<semaphore_mem>>) src(%dma_wait3A_28 : memref<2000xf32, #tpu.memory_space<hbm>>) dst(%arg12 : memref<2000xf32, #tpu.memory_space<vmem>>)
        tpu.yield
      }) : () -> ()
      "tpu.region"() ({
        %run_scoped3A = tpu.sem_alloc : memref<!tpu.dma_semaphore, #tpu.memory_space<semaphore_mem>>
        %dma_start3A = tpu.memref_slice %arg5[%add3A_20] : memref<320000xf32, #tpu.memory_space<hbm>> -> memref<2000xf32, #tpu.memory_space<hbm>>
        %dma_start3A_27 = tpu.memref_slice %arg5[%add3A_20] : memref<320000xf32, #tpu.memory_space<hbm>> -> memref<2000xf32, #tpu.memory_space<hbm>>
        tpu.enqueue_dma source(%dma_start3A_27 : memref<2000xf32, #tpu.memory_space<hbm>>) target(%arg13 : memref<2000xf32, #tpu.memory_space<vmem>>) target_semaphore(%run_scoped3A : memref<!tpu.dma_semaphore, #tpu.memory_space<semaphore_mem>>)
        %dma_wait3A = tpu.memref_slice %arg5[%add3A_20] : memref<320000xf32, #tpu.memory_space<hbm>> -> memref<2000xf32, #tpu.memory_space<hbm>>
        %dma_wait3A_28 = tpu.memref_slice %arg5[%add3A_20] : memref<320000xf32, #tpu.memory_space<hbm>> -> memref<2000xf32, #tpu.memory_space<hbm>>
        tpu.wait_dma2 semaphore(%run_scoped3A : memref<!tpu.dma_semaphore, #tpu.memory_space<semaphore_mem>>) src(%dma_wait3A_28 : memref<2000xf32, #tpu.memory_space<hbm>>) dst(%arg13 : memref<2000xf32, #tpu.memory_space<vmem>>)
        tpu.yield
      }) : () -> ()
      "tpu.region"() ({
        %run_scoped3A = tpu.sem_alloc : memref<!tpu.dma_semaphore, #tpu.memory_space<semaphore_mem>>
        %dma_start3A = tpu.memref_slice %arg6[%add3A_20] : memref<320000xf32, #tpu.memory_space<hbm>> -> memref<2000xf32, #tpu.memory_space<hbm>>
        %dma_start3A_27 = tpu.memref_slice %arg6[%add3A_20] : memref<320000xf32, #tpu.memory_space<hbm>> -> memref<2000xf32, #tpu.memory_space<hbm>>
        tpu.enqueue_dma source(%dma_start3A_27 : memref<2000xf32, #tpu.memory_space<hbm>>) target(%arg14 : memref<2000xf32, #tpu.memory_space<vmem>>) target_semaphore(%run_scoped3A : memref<!tpu.dma_semaphore, #tpu.memory_space<semaphore_mem>>)
        %dma_wait3A = tpu.memref_slice %arg6[%add3A_20] : memref<320000xf32, #tpu.memory_space<hbm>> -> memref<2000xf32, #tpu.memory_space<hbm>>
        %dma_wait3A_28 = tpu.memref_slice %arg6[%add3A_20] : memref<320000xf32, #tpu.memory_space<hbm>> -> memref<2000xf32, #tpu.memory_space<hbm>>
        tpu.wait_dma2 semaphore(%run_scoped3A : memref<!tpu.dma_semaphore, #tpu.memory_space<semaphore_mem>>) src(%dma_wait3A_28 : memref<2000xf32, #tpu.memory_space<hbm>>) dst(%arg14 : memref<2000xf32, #tpu.memory_space<vmem>>)
        tpu.yield
      }) : () -> ()
      %scan3A_21 = arith.constant 0 : i32
      %scan3A_22 = arith.constant 0 : i32
      %scan3A_23 = arith.constant 125 : i32
      %scan3A_24 = arith.addi %scan3A_22, %scan3A_23 : i32
      %scan3A_25 = arith.constant 1 : i32
      scf.for %scan3A_27 = %scan3A_22 to %scan3A_24 step %scan3A_25  : i32 {
        %mul3A_28 = arith.constant 16 : i32
        %mul3A_29 = arith.muli %scan3A_27, %mul3A_28 : i32
        %get3A = arith.index_cast %mul3A_29 : i32 to index
        %get3A_30 = tpu.vector_load %arg10[%get3A] {strides = array<i32>} : memref<2000xi32, #tpu.memory_space<vmem>>, vector<16xi32>,
        %get3A_31 = arith.index_cast %mul3A_29 : i32 to index
        %get3A_32 = tpu.vector_load %arg11[%get3A_31] {strides = array<i32>} : memref<2000xf32, #tpu.memory_space<vmem>>, vector<16xf32>,
        %get3A_33 = arith.index_cast %mul3A_29 : i32 to index
        %get3A_34 = tpu.vector_load %arg12[%get3A_33] {strides = array<i32>} : memref<2000xf32, #tpu.memory_space<vmem>>, vector<16xf32>,
        %get3A_35 = arith.index_cast %mul3A_29 : i32 to index
        %get3A_36 = tpu.vector_load %arg13[%get3A_35] {strides = array<i32>} : memref<2000xf32, #tpu.memory_space<vmem>>, vector<16xf32>,
        %get3A_37 = arith.index_cast %mul3A_29 : i32 to index
        %get3A_38 = tpu.vector_load %arg14[%get3A_37] {strides = array<i32>} : memref<2000xf32, #tpu.memory_space<vmem>>, vector<16xf32>,
        %gather3A = tpu.vector_load_idx %arg9[%get3A_30] : memref<10000xi32, #tpu.memory_space<vmem>>[vector<16xi32>], vector<16xi32>,
        %mul3A_39 = arith.constant 16 : i32
        %mul3A_40 = vector.broadcast %mul3A_39 : i32 to vector<16xi32>
        %mul3A_41 = arith.muli %gather3A, %mul3A_40 : vector<16xi32>
        %add3A_42 = arith.addi %mul3A_41, %iota3A : vector<16xi32>
        %mul3A_43 = arith.mulf %get3A_34, %get3A_32 : vector<16xf32>
        %mul3A_44 = arith.mulf %get3A_36, %get3A_32 : vector<16xf32>
        %mul3A_45 = arith.mulf %get3A_38, %get3A_32 : vector<16xf32>
        %mul3A_46 = arith.mulf %mul3A_43, %get3A_34 : vector<16xf32>
        %mul3A_47 = arith.mulf %mul3A_43, %get3A_36 : vector<16xf32>
        %mul3A_48 = arith.mulf %mul3A_43, %get3A_38 : vector<16xf32>
        %mul3A_49 = arith.mulf %mul3A_44, %get3A_34 : vector<16xf32>
        %mul3A_50 = arith.mulf %mul3A_44, %get3A_36 : vector<16xf32>
        %mul3A_51 = arith.mulf %mul3A_44, %get3A_38 : vector<16xf32>
        %mul3A_52 = arith.mulf %mul3A_45, %get3A_34 : vector<16xf32>
        %mul3A_53 = arith.mulf %mul3A_45, %get3A_36 : vector<16xf32>
        %mul3A_54 = arith.mulf %mul3A_45, %get3A_38 : vector<16xf32>
        %add3A_55 = arith.constant 0 : i32
        %add3A_56 = vector.broadcast %add3A_55 : i32 to vector<16xi32>
        %add3A_57 = arith.addi %add3A_42, %add3A_56 : vector<16xi32>
        tpu.vector_store_idx %arg15[%add3A_57], %mul3A_46 {add = true} : memref<5120xf32, #tpu.memory_space<vmem>>[vector<16xi32>], vector<16xf32>,
        %add3A_58 = arith.constant 512 : i32
        %add3A_59 = vector.broadcast %add3A_58 : i32 to vector<16xi32>
        %add3A_60 = arith.addi %add3A_42, %add3A_59 : vector<16xi32>
        tpu.vector_store_idx %arg15[%add3A_60], %mul3A_47 {add = true} : memref<5120xf32, #tpu.memory_space<vmem>>[vector<16xi32>], vector<16xf32>,
        %add3A_61 = arith.constant 1024 : i32
        %add3A_62 = vector.broadcast %add3A_61 : i32 to vector<16xi32>
        %add3A_63 = arith.addi %add3A_42, %add3A_62 : vector<16xi32>
        tpu.vector_store_idx %arg15[%add3A_63], %mul3A_48 {add = true} : memref<5120xf32, #tpu.memory_space<vmem>>[vector<16xi32>], vector<16xf32>,
        %add3A_64 = arith.constant 1536 : i32
        %add3A_65 = vector.broadcast %add3A_64 : i32 to vector<16xi32>
        %add3A_66 = arith.addi %add3A_42, %add3A_65 : vector<16xi32>
        tpu.vector_store_idx %arg15[%add3A_66], %mul3A_49 {add = true} : memref<5120xf32, #tpu.memory_space<vmem>>[vector<16xi32>], vector<16xf32>,
        %add3A_67 = arith.constant 2048 : i32
        %add3A_68 = vector.broadcast %add3A_67 : i32 to vector<16xi32>
        %add3A_69 = arith.addi %add3A_42, %add3A_68 : vector<16xi32>
        tpu.vector_store_idx %arg15[%add3A_69], %mul3A_50 {add = true} : memref<5120xf32, #tpu.memory_space<vmem>>[vector<16xi32>], vector<16xf32>,
        %add3A_70 = arith.constant 2560 : i32
        %add3A_71 = vector.broadcast %add3A_70 : i32 to vector<16xi32>
        %add3A_72 = arith.addi %add3A_42, %add3A_71 : vector<16xi32>
        tpu.vector_store_idx %arg15[%add3A_72], %mul3A_51 {add = true} : memref<5120xf32, #tpu.memory_space<vmem>>[vector<16xi32>], vector<16xf32>,
        %add3A_73 = arith.constant 3072 : i32
        %add3A_74 = vector.broadcast %add3A_73 : i32 to vector<16xi32>
        %add3A_75 = arith.addi %add3A_42, %add3A_74 : vector<16xi32>
        tpu.vector_store_idx %arg15[%add3A_75], %mul3A_52 {add = true} : memref<5120xf32, #tpu.memory_space<vmem>>[vector<16xi32>], vector<16xf32>,
        %add3A_76 = arith.constant 3584 : i32
        %add3A_77 = vector.broadcast %add3A_76 : i32 to vector<16xi32>
        %add3A_78 = arith.addi %add3A_42, %add3A_77 : vector<16xi32>
        tpu.vector_store_idx %arg15[%add3A_78], %mul3A_53 {add = true} : memref<5120xf32, #tpu.memory_space<vmem>>[vector<16xi32>], vector<16xf32>,
        %add3A_79 = arith.constant 4096 : i32
        %add3A_80 = vector.broadcast %add3A_79 : i32 to vector<16xi32>
        %add3A_81 = arith.addi %add3A_42, %add3A_80 : vector<16xi32>
        tpu.vector_store_idx %arg15[%add3A_81], %mul3A_54 {add = true} : memref<5120xf32, #tpu.memory_space<vmem>>[vector<16xi32>], vector<16xf32>,
        %add3A_82 = arith.constant 4608 : i32
        %add3A_83 = vector.broadcast %add3A_82 : i32 to vector<16xi32>
        %add3A_84 = arith.addi %add3A_42, %add3A_83 : vector<16xi32>
        tpu.vector_store_idx %arg15[%add3A_84], %broadcast_in_dim3A_5 {add = true} : memref<5120xf32, #tpu.memory_space<vmem>>[vector<16xi32>], vector<16xf32>,
      }
      %scan3A_26 = arith.constant 125 : i32
    }
    %scan3A_16 = arith.constant 5 : i32
    "tpu.region"() ({
      %run_scoped3A = tpu.sem_alloc : memref<!tpu.dma_semaphore, #tpu.memory_space<semaphore_mem>>
      %dma_start3A = arith.constant 0 : i32
      %dma_start3A_17 = tpu.memref_slice %arg8[%add3A, %dma_start3A] : memref<32x5120xf32, #tpu.memory_space<hbm>> -> memref<1x5120xf32, #tpu.memory_space<hbm>>
      %dma_start3A_18 = tpu.memref_squeeze %dma_start3A_17 : memref<1x5120xf32, #tpu.memory_space<hbm>> -> memref<5120xf32, #tpu.memory_space<hbm>>
      %dma_start3A_19 = arith.constant 0 : i32
      %dma_start3A_20 = tpu.memref_slice %arg8[%add3A, %dma_start3A_19] : memref<32x5120xf32, #tpu.memory_space<hbm>> -> memref<1x5120xf32, #tpu.memory_space<hbm>>
      %dma_start3A_21 = tpu.memref_squeeze %dma_start3A_20 : memref<1x5120xf32, #tpu.memory_space<hbm>> -> memref<5120xf32, #tpu.memory_space<hbm>>
      tpu.enqueue_dma source(%arg15 : memref<5120xf32, #tpu.memory_space<vmem>>) target(%dma_start3A_21 : memref<5120xf32, #tpu.memory_space<hbm>>) target_semaphore(%run_scoped3A : memref<!tpu.dma_semaphore, #tpu.memory_space<semaphore_mem>>)
      %dma_wait3A = arith.constant 0 : i32
      %dma_wait3A_22 = tpu.memref_slice %arg8[%add3A, %dma_wait3A] : memref<32x5120xf32, #tpu.memory_space<hbm>> -> memref<1x5120xf32, #tpu.memory_space<hbm>>
      %dma_wait3A_23 = tpu.memref_squeeze %dma_wait3A_22 : memref<1x5120xf32, #tpu.memory_space<hbm>> -> memref<5120xf32, #tpu.memory_space<hbm>>
      %dma_wait3A_24 = arith.constant 0 : i32
      %dma_wait3A_25 = tpu.memref_slice %arg8[%add3A, %dma_wait3A_24] : memref<32x5120xf32, #tpu.memory_space<hbm>> -> memref<1x5120xf32, #tpu.memory_space<hbm>>
      %dma_wait3A_26 = tpu.memref_squeeze %dma_wait3A_25 : memref<1x5120xf32, #tpu.memory_space<hbm>> -> memref<5120xf32, #tpu.memory_space<hbm>>
      tpu.wait_dma2 semaphore(%run_scoped3A : memref<!tpu.dma_semaphore, #tpu.memory_space<semaphore_mem>>) src(%arg15 : memref<5120xf32, #tpu.memory_space<vmem>>) dst(%dma_wait3A_26 : memref<5120xf32, #tpu.memory_space<hbm>>)
      tpu.yield
    }) : () -> ()
    return
  }
}

module attributes {stable_mosaic.version = 14 : i64} {
  func.func @_score_kernel(%arg0: i32, %arg1: memref<3200x128xf32, #tpu.memory_space<vmem>>, %arg2: memref<3200x16xf32, #tpu.memory_space<vmem>>, %arg3: memref<3200x3xf32, #tpu.memory_space<vmem>>, %arg4: memref<128x128xf32, #tpu.memory_space<vmem>>, %arg5: memref<128x128xf32, #tpu.memory_space<vmem>>, %arg6: memref<16x128xf32, #tpu.memory_space<vmem>>, %arg7: memref<128x1xf32, #tpu.memory_space<vmem>>, %arg8: memref<3200x1xf32, #tpu.memory_space<vmem>>) attributes {dimension_semantics = [#tpu.dimension_semantics<arbitrary>], iteration_bounds = array<i64: 100>, scalar_prefetch = 0 : i64, scratch_operands = 0 : i64, tpu.core_type = #tpu.core_type<tc>, window_params = [{transform_indices = @transform_0, window_bounds = array<i64: 3200, 128>}, {transform_indices = @transform_1, window_bounds = array<i64: 3200, 16>}, {transform_indices = @transform_2, window_bounds = array<i64: 3200, 3>}, {pipeline_mode = #tpu.pipeline_mode<synchronous>, transform_indices = @transform_3, window_bounds = array<i64: 128, 128>}, {pipeline_mode = #tpu.pipeline_mode<synchronous>, transform_indices = @transform_4, window_bounds = array<i64: 128, 128>}, {pipeline_mode = #tpu.pipeline_mode<synchronous>, transform_indices = @transform_5, window_bounds = array<i64: 16, 128>}, {pipeline_mode = #tpu.pipeline_mode<synchronous>, transform_indices = @transform_6, window_bounds = array<i64: 128, 1>}, {transform_indices = @transform_7, window_bounds = array<i64: 3200, 1>}]} {
    %get3A = arith.constant 0 : index
    %get3A_0 = arith.constant 0 : index
    %get3A_1 = vector.load %arg1[%get3A, %get3A_0] : memref<3200x128xf32, #tpu.memory_space<vmem>>, vector<3200x128xf32>
    %get3A_2 = arith.constant 0 : index
    %get3A_3 = arith.constant 0 : index
    %get3A_4 = vector.load %arg4[%get3A_2, %get3A_3] : memref<128x128xf32, #tpu.memory_space<vmem>>, vector<128x128xf32>
    %dot_general3A = arith.constant dense<0.000000e+00> : vector<3200x128xf32>
    %dot_general3A_5 = tpu.matmul %get3A_1, %get3A_4, %dot_general3A {dimension_numbers = #tpu.dot_dimension_numbers<[1], [0], [0], [1], [0, 0, 1, 1], [], []>, transpose_lhs_hint = false} : vector<3200x128xf32>, vector<128x128xf32>, vector<3200x128xf32> -> vector<3200x128xf32>
    %logistic3A = arith.negf %dot_general3A_5 : vector<3200x128xf32>
    %logistic3A_6 = math.exp %logistic3A : vector<3200x128xf32>
    %logistic3A_7 = arith.constant 1.000000e+00 : f32
    %logistic3A_8 = vector.broadcast %logistic3A_7 : f32 to vector<3200x128xf32>
    %logistic3A_9 = arith.addf %logistic3A_8, %logistic3A_6 : vector<3200x128xf32>
    %logistic3A_10 = arith.divf %logistic3A_8, %logistic3A_9 : vector<3200x128xf32>
    %mul3A = arith.mulf %dot_general3A_5, %logistic3A_10 : vector<3200x128xf32>
    %mul3A_11 = arith.constant 1.66666663 : f32
    %mul3A_12 = vector.broadcast %mul3A_11 : f32 to vector<3200x128xf32>
    %mul3A_13 = arith.mulf %mul3A, %mul3A_12 : vector<3200x128xf32>
    %get3A_14 = arith.constant 0 : index
    %get3A_15 = arith.constant 0 : index
    %get3A_16 = vector.load %arg5[%get3A_14, %get3A_15] : memref<128x128xf32, #tpu.memory_space<vmem>>, vector<128x128xf32>
    %dot_general3A_17 = arith.constant dense<0.000000e+00> : vector<3200x128xf32>
    %dot_general3A_18 = tpu.matmul %mul3A_13, %get3A_16, %dot_general3A_17 {dimension_numbers = #tpu.dot_dimension_numbers<[1], [0], [0], [1], [0, 0, 1, 1], [], []>, transpose_lhs_hint = false} : vector<3200x128xf32>, vector<128x128xf32>, vector<3200x128xf32> -> vector<3200x128xf32>
    %get3A_19 = arith.constant 0 : index
    %get3A_20 = arith.constant 0 : index
    %get3A_21 = vector.load %arg2[%get3A_19, %get3A_20] : memref<3200x16xf32, #tpu.memory_space<vmem>>, vector<3200x16xf32>
    %get3A_22 = arith.constant 0 : index
    %get3A_23 = arith.constant 0 : index
    %get3A_24 = vector.load %arg6[%get3A_22, %get3A_23] : memref<16x128xf32, #tpu.memory_space<vmem>>, vector<16x128xf32>
    %dot_general3A_25 = arith.constant dense<0.000000e+00> : vector<3200x128xf32>
    %dot_general3A_26 = tpu.matmul %get3A_21, %get3A_24, %dot_general3A_25 {dimension_numbers = #tpu.dot_dimension_numbers<[1], [0], [0], [1], [0, 0, 1, 1], [], []>, transpose_lhs_hint = false} : vector<3200x16xf32>, vector<16x128xf32>, vector<3200x128xf32> -> vector<3200x128xf32>
    %mul3A_27 = arith.mulf %dot_general3A_18, %dot_general3A_26 : vector<3200x128xf32>
    %get3A_28 = arith.constant 0 : index
    %get3A_29 = arith.constant 0 : index
    %get3A_30 = vector.load %arg7[%get3A_28, %get3A_29] : memref<128x1xf32, #tpu.memory_space<vmem>>, vector<128x1xf32>
    %dot_general3A_31 = arith.constant dense<0.000000e+00> : vector<3200x1xf32>
    %dot_general3A_32 = tpu.matmul %mul3A_27, %get3A_30, %dot_general3A_31 {dimension_numbers = #tpu.dot_dimension_numbers<[1], [0], [0], [1], [0, 0, 1, 1], [], []>, transpose_lhs_hint = false} : vector<3200x128xf32>, vector<128x1xf32>, vector<3200x1xf32> -> vector<3200x1xf32>
    %get3A_33 = arith.constant 0 : index
    %get3A_34 = arith.constant 0 : index
    %get3A_35 = vector.load %arg3[%get3A_33, %get3A_34] : memref<3200x3xf32, #tpu.memory_space<vmem>>, vector<3200x3xf32>
    %mul3A_36 = arith.mulf %get3A_35, %get3A_35 : vector<3200x3xf32>
    %reduce_sum3A = arith.constant dense<0.000000e+00> : vector<3200xf32>
    %reduce_sum3A_37 = vector.multi_reduction <add>, %mul3A_36, %reduce_sum3A [1] : vector<3200x3xf32> to vector<3200xf32>
    %broadcast_in_dim3A = vector.shape_cast %reduce_sum3A_37 : vector<3200xf32> to vector<3200x1xf32>
    %sqrt3A = math.sqrt %broadcast_in_dim3A : vector<3200x1xf32>
    %div3A = arith.divf %dot_general3A_32, %sqrt3A : vector<3200x1xf32>
    %swap3A = arith.constant 0 : index
    %swap3A_38 = arith.constant 0 : index
    %swap3A_39 = vector.load %arg8[%swap3A, %swap3A_38] : memref<3200x1xf32, #tpu.memory_space<vmem>>, vector<3200x1xf32>
    tpu.vector_store %arg8[%swap3A, %swap3A_38], %div3A {strides = array<i32>} : memref<3200x1xf32, #tpu.memory_space<vmem>>, vector<3200x1xf32>,
    return
  }
  func.func @transform_0(%arg0: i32) -> (i32, i32) {
    %c0_i32 = arith.constant 0 : i32
    %c0_i32_0 = arith.constant 0 : i32
    return %arg0, %c0_i32 : i32, i32
  }
  func.func @transform_1(%arg0: i32) -> (i32, i32) {
    %c0_i32 = arith.constant 0 : i32
    %c0_i32_0 = arith.constant 0 : i32
    return %arg0, %c0_i32 : i32, i32
  }
  func.func @transform_2(%arg0: i32) -> (i32, i32) {
    %c0_i32 = arith.constant 0 : i32
    %c0_i32_0 = arith.constant 0 : i32
    return %arg0, %c0_i32 : i32, i32
  }
  func.func @transform_3(%arg0: i32) -> (i32, i32) {
    %c0_i32 = arith.constant 0 : i32
    %c0_i32_0 = arith.constant 0 : i32
    %c0_i32_1 = arith.constant 0 : i32
    return %c0_i32, %c0_i32_0 : i32, i32
  }
  func.func @transform_4(%arg0: i32) -> (i32, i32) {
    %c0_i32 = arith.constant 0 : i32
    %c0_i32_0 = arith.constant 0 : i32
    %c0_i32_1 = arith.constant 0 : i32
    return %c0_i32, %c0_i32_0 : i32, i32
  }
  func.func @transform_5(%arg0: i32) -> (i32, i32) {
    %c0_i32 = arith.constant 0 : i32
    %c0_i32_0 = arith.constant 0 : i32
    %c0_i32_1 = arith.constant 0 : i32
    return %c0_i32, %c0_i32_0 : i32, i32
  }
  func.func @transform_6(%arg0: i32) -> (i32, i32) {
    %c0_i32 = arith.constant 0 : i32
    %c0_i32_0 = arith.constant 0 : i32
    %c0_i32_1 = arith.constant 0 : i32
    return %c0_i32, %c0_i32_0 : i32, i32
  }
  func.func @transform_7(%arg0: i32) -> (i32, i32) {
    %c0_i32 = arith.constant 0 : i32
    %c0_i32_0 = arith.constant 0 : i32
    return %arg0, %c0_i32 : i32, i32
  }
}

</mosaic_0001>

<sc_bundles>
// kernel: kernel.4.cloned.1.call-start
scs
__scs_entry_jumppad:
0x0: {  	(pc) =	sbr.rel $0x88, $3  }
0x1: {  	(tag) =	ssettag $0x0;
	lr =	simm.s32 $0x1  }
0x2: {  	[smem:$0x3F98] =	sst lr;
	_ =	strace $0xD0000000  }
0x3: {  	_ = 	snop  }
0x4: {  	_ = 	snop  }
0x5: {  	_ = 	snop  }
0x6: {  	_ = 	snop  }
0x7: {  	_ = 	snop  }
__scs_overlays_trampoline_lowered:
0x8: {  	[smem:$0x3FA7] =	sst s0  }
0x9: {  	[smem:$0x3FA8] =	sst s1  }
0xa: {  	[smem:$0x3FA9] =	sst s2  }
0xb: {  	[smem:$0x3FAA] =	sst s3  }
0xc: {  	[smem:$0x3FAB] =	sst s4  }
0xd: {  	[smem:$0x3FAC] =	sst s5  }
0xe: {  	[smem:$0x3FAD] =	sst s6  }
0xf: {  	[smem:$0x3FAE] =	sst s7  }
0x10: {  	[smem:$0x3FAF] =	sst s8  }
0x11: {  	[smem:$0x3FB0] =	sst s9;
	s0 =	simm.s32 @!p0 $0x0  }
0x12: {  	s1 =	sld [smem:$0x3F96];
	s0 =	simm.s32 @p0 $0x1  }
0x13: {  	[smem:$0x3FB1] =	sst s0;
	s0 =	simm.s32 @!p1 $0x0  }
0x14: {  	s2 =	sld [smem:$0x3F95];
	s0 =	simm.s32 @p1 $0x1  }
0x15: {  	[smem:$0x3FB2] =	sst s0;
	s0 =	simm.s32 @!p2 $0x0  }
0x16: {  	s3 =	sld [smem:$0x3FDB];
	s0 =	simm.s32 @p2 $0x1  }
0x17: {  	s4 =	simm.s32 $0x1BF5;
	[smem:$0x3FB4] =	sst s0  }
0x18: {  	s0 =	sld [smem:$0x3F97];
	_ =	swait.ge [sflag:s4], $0x0  }
0x19: {  	s7 =	sld [smem:$0x3F98]  }
0x1a: {  	s8 =	sadd.s32 $0xFFFFE003, lr  }
0x1b: {  	s9 =	sadd.s32 $0xFFFFFEF7, lr;
	s5 =	simm.s32 $0xFFFFFFFF;
	p2 =	slt.u32 s8, $0xFFFFF086  }
0x1c: {  	p1 =	slt.u32 s9, $0xF7A;
	s5 =	simm.s32 @!p2 $0x0  }
0x1d: {  	s5 =	simm.s32 @p1 $0x1;
	p0 =	seq.s32 s7, s2  }
0x1e: {  	s7 =	smul.u32 @!p0 $0xF7A, s2;
	p2 =	seq.s32 @!p0 s5, $0x0  }
0x1f: {  	s9 =	smul.u32 $0xF7A, s1;
	s8 =	simm.s32 @!p0 $0x1BF5;
	p2 =	por !p2, p0  }
0x20: {  	[sflag:s8] =	ssyncset.s32 @!p0 $0xFFFFF086;
	s6 =	sadd.s32 @!p0 s3, s7;
	s7 =	simm.s32 @!p0 $0x108  }
0x21: {  	s3 =	sadd.s32 s3, s9;
	s6 =	sadd.s32 @!p0 $0x88, s6;
	s7 =	simm.s32 @p2 $0x1082  }
0x22: {  	[simem:s7], [sflag:s8] =	dma.local @!p0 [hbm:s6], $0xF7A  }
0x23: {  	s9 =	sor.u32 $0xD0000000, s2;
	s6 =	simm.s32 $0x108;
	_ =	swait.ge @!p0 [sflag:s8], $0x0  }
0x24: {  	s3 =	sadd.s32 $0x88, s3;
	s6 =	simm.s32 @!p1 $0x1082;
	[sflag:s4] =	ssyncset.s32 $0xFFFFF086  }
0x25: {  	[simem:s6], [sflag:s4] =	dma.local [hbm:s3], $0xF7A  }
0x26: {  	[smem:$0x3F98] =	sst s1;
	(tag) =	ssettag s2;
	_ =	strace s9  }
0x27: {  	s1 =	sld [smem:$0x3FA8]  }
0x28: {  	s2 =	sld [smem:$0x3FA9]  }
0x29: {  	s4 =	sld [smem:$0x3FAB]  }
0x2a: {  	p0 =	seq.s32 s5, $0x0;
	s5 =	sld [smem:$0x3FAC]  }
0x2b: {  	s6 =	sld [smem:$0x3FAD]  }
0x2c: {  	s7 =	sld [smem:$0x3FAE]  }
0x2d: {  	s3 =	simm.s32 $0x108;
	s8 =	sld [smem:$0x3FAF]  }
0x2e: {  	s3 =	simm.s32 @!p0 $0x1082;
	s9 =	sld [smem:$0x3FB0]  }
0x2f: {  	lr =	sadd.s32 s0, s3;
	s0 =	sld [smem:$0x3FA7]  }
0x30: {  	s3 =	sld [smem:$0x3FAA]  }
0x31: {  	[smem:$0x3FB3] =	sst s10  }
0x32: {  	s10 =	sld [smem:$0x3FB1];
	_ =	sdelay $0x3  }
0x33: {  	p0 =	seq.s32 s10, $0x1;
	s10 =	sld [smem:$0x3FB3];
	_ =	sdelay $0x3  }
0x34: {  	[smem:$0x3FB3] =	sst s10  }
0x35: {  	s10 =	sld [smem:$0x3FB2];
	_ =	sdelay $0x3  }
0x36: {  	p1 =	seq.s32 s10, $0x1;
	s10 =	sld [smem:$0x3FB3];
	_ =	sdelay $0x3  }
0x37: {  	[smem:$0x3FB3] =	sst s10  }
0x38: {  	s10 =	sld [smem:$0x3FB4]  }
0x39: {  	_ = 	snop;
	(pc) =	sbr.ind lr, $3  }
0x3a: {  	_ = 	snop  }
0x3b: {  	_ = 	snop  }
0x3c: {  	p2 =	seq.s32 s10, $0x1;
	s10 =	sld [smem:$0x3FB3]  }
0x3d: {  	_ =	shalt  }
0x3e: {  	_ =	shalt  }
0x3f: {  	_ =	shalt  }
0x40: {  	_ =	shalt  }
0x41: {  	_ =	shalt  }
0x42: {  	_ =	shalt  }
0x43: {  	_ =	shalt  }
0x44: {  	_ =	shalt  }
0x45: {  	_ =	shalt  }
0x46: {  	_ =	shalt  }
0x47: {  	_ =	shalt  }
0x48: {  	_ =	shalt  }
0x49: {  	_ =	shalt  }
0x4a: {  	_ =	shalt  }
0x4b: {  	_ =	shalt  }
0x4c: {  	_ =	shalt  }
0x4d: {  	_ =	shalt  }
0x4e: {  	_ =	shalt  }
0x4f: {  	_ =	shalt  }
0x50: {  	_ =	shalt  }
0x51: {  	_ =	shalt  }
0x52: {  	_ =	shalt  }
0x53: {  	_ =	shalt  }
0x54: {  	_ =	shalt  }
0x55: {  	_ =	shalt  }
0x56: {  	_ =	shalt  }
0x57: {  	_ =	shalt  }
0x58: {  	_ =	shalt  }
0x59: {  	_ =	shalt  }
0x5a: {  	_ =	shalt  }
0x5b: {  	_ =	shalt  }
0x5c: {  	_ =	shalt  }
0x5d: {  	_ =	shalt  }
0x5e: {  	_ =	shalt  }
0x5f: {  	_ =	shalt  }
0x60: {  	_ =	shalt  }
0x61: {  	_ =	shalt  }
0x62: {  	_ =	shalt  }
0x63: {  	_ =	shalt  }
0x64: {  	_ =	shalt  }
0x65: {  	_ =	shalt  }
0x66: {  	_ =	shalt  }
0x67: {  	_ =	shalt  }
0x68: {  	_ =	shalt  }
0x69: {  	_ =	shalt  }
0x6a: {  	_ =	shalt  }
0x6b: {  	_ =	shalt  }
0x6c: {  	_ =	shalt  }
0x6d: {  	_ =	shalt  }
0x6e: {  	_ =	shalt  }
0x6f: {  	_ =	shalt  }
0x70: {  	_ =	shalt  }
0x71: {  	_ =	shalt  }
0x72: {  	_ =	shalt  }
0x73: {  	_ =	shalt  }
0x74: {  	_ =	shalt  }
0x75: {  	_ =	shalt  }
0x76: {  	_ =	shalt  }
0x77: {  	_ =	shalt  }
0x78: {  	_ =	shalt  }
0x79: {  	_ =	shalt  }
0x7a: {  	_ =	shalt  }
0x7b: {  	_ =	shalt  }
0x7c: {  	_ =	shalt  }
0x7d: {  	_ =	shalt  }
0x7e: {  	_ =	shalt  }
0x7f: {  	_ =	shalt  }
0x80: {  	_ =	shalt  }
0x81: {  	_ =	shalt  }
0x82: {  	_ =	shalt  }
0x83: {  	_ =	shalt  }
0x84: {  	_ =	shalt  }
0x85: {  	_ =	shalt  }
0x86: {  	_ =	shalt  }
0x87: {  	_ =	shalt  }
.Lfunc_end0:
.L_simem_size_0:
called_computation_lowered:
.L_overlay_start_0:
0x88: {  	s2 =	sld [smem:$0x3FD9]  }
0x89: {  	s3 =	sld [smem:$0x3FFE];
	_ =	sdelay $0x1  }
0x8a: {  	s1 =	srdreg.scid  }
0x8b: {  	s0 =	sand.u32 $0x1, s1  }
0x8c: {  	s17 =	sshll.u32 s0, $0xA;
	s2 =	sadd.s32 s3, s2  }
0x8d: {  	s2 =	sadd.s32 s2, s17  }
0x8e: {  	[smem:$0x3FBF] =	sst s2  }
0x8f: {  	_ = 	snop  }
0x90: {  	s2 =	sld [smem:$0x3FC6];
	(tm) =	ssettm $0x1  }
0x91: {  	s18 =	sld [smem:$0x3FFB];
	_ =	sdelay $0x3  }
0x92: {  	_ =	strace s18  }
0x93: {  	s3 =	sld [smem:$0x3FFC];
	_ =	sdelay $0x3  }
0x94: {  	_ =	strace s3  }
0x95: {  	s3 =	sld [smem:$0x3FFD];
	_ =	sdelay $0x3  }
0x96: {  	_ =	strace s3  }
0x97: {  	_ =	strace $0x8FFFFFFF  }
0x98: {  	s19 =	sld [smem:$0x3FDB];
	_ =	sdelay $0x1  }
0x99: {  	s4 =	simm.s32 $_scs_section_size  }
0x9a: {  	s5 =	simm.s32 $_size__tile_overlayer_lowered;
	s6 =	simm.s32 $_tile_overlayer_lowered  }
0x9b: {  	s22 =	simm.s32 $0x1BFF;
	s21 =	sshll.u32 s6, $0x1;
	s3 =	sadd.s32 s4, s19  }
0x9c: {  	s7 =	simm.s32 $0x0;
	s20 =	sshll.u32 s5, $0x1;
	s5 =	sadd.s32 s21, s3  }
0x9d: {  	[timem:s7], [sflag:s22] =	dma.local [hbm:s5], s20  }
0x9e: {  	_ =	swait.ge [sflag:s22], s20  }
0x9f: {  	s4 =	ssub.s32 $0x0, s20;
	[sflag:s22] =	ssyncset.done $0x0  }
0xa0: {  	[sflag:s22] =	ssyncadd.s32 s4;
	_ =	sdelay $0x1  }
0xa1: {  	s23 =	simm.s32 $0x1B8B  }
0xa2: {  	_ =	swait.ge [sflag:s23], $0x1  }
0xa3: {  	[sflag:s23] =	ssyncset.done $0x0  }
0xa4: {  	s25 =	simm.s32 $0x1B8E;
	s24 =	sld [smem:$0x3FFE];
	[sflag:s23] =	ssyncadd.s32 $0xFFFFFFFF  }
0xa5: {  	s26 =	simm.s32 $execute0_lowered;
	[smem:$0x3FD2] =	sst s25  }
0xa6: {  	s5 =	sshll.u32 s26, $0x1;
	_ =	strace $0x80000046;
	[dreg:$0x1] =	wrdreg $0xFFFFFFFF  }
0xa7: {  	s28 =	simm.s32 $_size_execute0_lowered;
	s3 =	sadd.s32 s3, s5;
	[dreg:$0x0] =	wrdreg $0x0  }
0xa8: {  	s5 =	sshll.u32 s28, $0x1;
	[dreg:$0x2] =	wrdreg s3  }
0xa9: {  	[dreg:$0x3] =	wrdreg s5  }
0xaa: {  	[dreg:$0x4] =	wrdreg $0xC0  }
0xab: {  	_ =	task [dreg:s7], $0x5FFFF  }
0xac: {  	[dreg:$0x1] =	wrdreg $0xFFFFFFFF  }
0xad: {  	[dreg:$0x0] =	wrdreg $0x60  }
0xae: {  	[dreg:$0x2] =	wrdreg s24  }
0xaf: {  	[dreg:$0x3] =	wrdreg s2  }
0xb0: {  	[dreg:$0x4] =	wrdreg $0x9  }
0xb1: {  	_ =	task.clear_ibuf [dreg:s7], $0x5FFFF;
	_ =	strace $0x90000046  }
0xb2: {  	s29 =	simm.s32 $0x9;
	_ =	strace $0x80000048  }
0xb3: {  	_ =	swait.ge [sflag:s29], $0x1  }
0xb4: {  	[sflag:s29] =	ssyncadd.s32 $0xFFFFFFFF  }
0xb5: {  	_ =	strace $0x90000048  }
0xb6: {  	_ =	sfence  }
0xb7: {  	s30 =	sld [smem:$0x0];
	_ =	sdelay $0x2  }
0xb8: {  	s31 =	sshll.u32 s1, $0xD;
	s1 =	sshrl.u32 s1, $0x2  }
0xb9: {  	s3 =	sand.u32 $0x4000, s31;
	s1 =	sadd.s32 s1, s30  }
0xba: {  	s0 =	sor.u32 s3, s0;
	s1 =	sshll.u32 s1, $0x11  }
0xbb: {  	s0 =	sor.u32 s1, s0  }
0xbc: {  	s0 =	sadd.s32 $0x8F2B, s0  }
0xbd: {  	[sflag:s0] =	ssyncadd.remote.s32 $0x1  }
0xbe: {  	_ =	sfence.sel $0xFFFF  }
0xbf: {  	[dreg:$0x0] =	wrdreg $0xFFFFFFFF;
	(pc) =	sbr.abs _section_cstart, $3  }
0xc0: {  	[dreg:$0x1] =	wrdreg $0xFFFFFFFF  }
0xc1: {  	_ =	task.clear_ibuf [dreg:s7], $0x2FFFF;
	_ =	strace $0x9FFFFFFF  }
0xc2: {  	(tm) =	ssettm $0x7FFFFFFF  }
0xc3: {  	_ =	shalt  }
tec
execute0_lowered:
.L_overlay_start_1:
0x0: {  	(tag) =	ssettag $0x1  }
0x1: {  	s2 =	rddreg [dreg:$0x0]  }
0x2: {  	s3 =	rddreg [dreg:$0x1]  }
0x3: {  	s0 =	rddreg [dreg:$0x2]  }
0x4: {  	s5 =	srdreg.scid;
	s1 =	stileid.u32  }
0x5: {  	s4 =	simm.s32 $0x0;
	s13 =	simm.s32 $0x2780;
	s14 =	simm.s32 $0x2F80  }
0x6: {  	s15 =	simm.s32 $0x3780;
	s16 =	simm.s32 $0x3F80;
	s17 =	simm.s32 $0x4780  }
0x7: {  	s18 =	simm.s32 $0x4F80;
	s19 =	simm.s32 $0x80;
	s20 =	simm.s32 $0x400  }
0x8: {  	s21 =	simm.s32 $0x0;
	s8 =	sand.u32 $0x1, s5;
	s29 =	sshll.u32 s1, $0x1  }
0x9: {  	[smem:$0x7FF] =	sst s4;
	s30 =	sshrl.u32 s1, $0x2;
	s9 =	sor.u32 s8, s29  }
0xa: {  	s6 =	sadd.s32 $0x9E1A00, s2;
	s10 =	smul.u32 $0xA000, s30;
	s7 =	sshll.u32 s9, $0x7  }
0xb: {  	s5 =	sadd.s32 $0x9E00, s2;
	_ =	strace $0x80000047;
	s11 =	sand.u32 $0x380, s7  }
0xc: {  	v0 =	vlaneseq.u32;
	v1 =	vimm.f32 $0.0e+00;
	v11 =	vimm.f32 $1.000000000e+00;
	s31 =	ssub.s32 $0x2, s8;
	s8 =	sadd.s32 $0x9CDE00, s2;
	s10 =	sor.u32 s10, s11  }
0xd: {  	v2 =	vor.u32 $0x200, v0;
	v3 =	vor.u32 $0x400, v0;
	v4 =	vor.u32 $0x600, v0;
	s12 =	sshrl.u32 s31, $0x1;
	s9 =	smul.u32 $0x2710, s9;
	s10 =	sshrl.u32 s10, $0x3  }
0xe: {  	v5 =	vor.u32 $0x800, v0;
	v6 =	vor.u32 $0xA00, v0;
	v7 =	vor.u32 $0xC00, v0;
	s7 =	sadd.s32 $0x9D7C00, s2;
	s11 =	ssub.s32 s31, s12;
	s10 =	sadd.s32 s10, s2  }
0xf: {  	v8 =	vor.u32 $0xE00, v0;
	v9 =	vor.u32 $0x1000, v0;
	v10 =	vor.u32 $0x1200, v0;
	s12 =	simm.s32 $0x1;
	s11 =	smax.u32 s11, $0x1;
	s10 =	sadd.s32 $0x13C00, s10  }
.LBB2_1:
0x10: {  	[tilespmem:s4], [sflag:$0x1] =	stream.linear.gather [hbm4b:s3+s4], $0x2780, $0x38;
	[tilespmem:$0x6380] =	vst v63  }
0x11: {  	_ =	swait.ge [sflag:s12], $0x2780  }
0x12: {  	[sflag:s12] =	ssyncset.done $0x0  }
0x13: {  	s22 =	simm.s32 $0x40;
	s23 =	simm.s32 $0x0;
	[sflag:s12] =	ssyncadd.s32 $0xFFFFD880  }
.LBB2_2:
0x14: {  	p0 =	sne.s32 s22, $0x4FC0;
	[tilespmem:s23+$0x4F80] =	vst v1;
	s23 =	smov.u32 s22;
	s22 =	sadd.s32 $0x40, s22  }
.Ltmp0:
0x15: {  	(pc) =	sbr.rel @p0 .LBB2_2-.Ltmp0, $2  }
0x16: {  	_ =	sdelay $0x2  }
0x17: {  	s23 =	sshra.s32 s23, $0x2  }
0x18: {  	[tilespmem:s23+$0x4F80] =	vst v1;
	s22 =	simm.s32 $0x0;
	s23 =	simm.s32 $0x0  }
.LBB2_4:
0x19: {  	s24 =	smul.u32 $0x7D0, s23;
	_ =	sdelay $0x1  }
0x1a: {  	s24 =	sadd.s32 s9, s24  }
0x1b: {  	s24 =	sshrl.u32 s24, $0x3  }
0x1c: {  	s25 =	sadd.s32 s2, s24  }
0x1d: {  	[tilespmem:s13], [sflag:$0x1] =	stream.linear.gather [hbm4b:s25+s22], $0x7D0, $0x38;
	[tilespmem:$0x6380] =	vst v63  }
0x1e: {  	_ =	swait.ge [sflag:s12], $0x7D0  }
0x1f: {  	[sflag:s12] =	ssyncset.done $0x0  }
0x20: {  	s29 =	sadd.s32 s5, s24;
	[sflag:s12] =	ssyncadd.s32 $0xFFFFF830  }
0x21: {  	[tilespmem:s14], [sflag:$0x1] =	stream.linear.gather [hbm4b:s29+s22], $0x7D0, $0x38;
	[tilespmem:$0x6380] =	vst v63  }
0x22: {  	_ =	swait.ge [sflag:s12], $0x7D0  }
0x23: {  	[sflag:s12] =	ssyncset.done $0x0  }
0x24: {  	s30 =	sadd.s32 s6, s24;
	[sflag:s12] =	ssyncadd.s32 $0xFFFFF830  }
0x25: {  	[tilespmem:s15], [sflag:$0x1] =	stream.linear.gather [hbm4b:s30+s22], $0x7D0, $0x38;
	[tilespmem:$0x6380] =	vst v63  }
0x26: {  	_ =	swait.ge [sflag:s12], $0x7D0  }
0x27: {  	[sflag:s12] =	ssyncset.done $0x0  }
0x28: {  	s31 =	sadd.s32 s7, s24;
	[sflag:s12] =	ssyncadd.s32 $0xFFFFF830  }
0x29: {  	[tilespmem:s16], [sflag:$0x1] =	stream.linear.gather [hbm4b:s31+s22], $0x7D0, $0x38;
	[tilespmem:$0x6380] =	vst v63  }
0x2a: {  	_ =	swait.ge [sflag:s12], $0x7D0  }
0x2b: {  	[sflag:s12] =	ssyncset.done $0x0  }
0x2c: {  	s24 =	sadd.s32 s8, s24;
	[sflag:s12] =	ssyncadd.s32 $0xFFFFF830  }
0x2d: {  	[tilespmem:s17], [sflag:$0x1] =	stream.linear.gather [hbm4b:s24+s22], $0x7D0, $0x38;
	[tilespmem:$0x6380] =	vst v63  }
0x2e: {  	_ =	swait.ge [sflag:s12], $0x7D0  }
0x2f: {  	[sflag:s12] =	ssyncset.done $0x0  }
0x30: {  	s24 =	simm.s32 $0x0;
	[sflag:s12] =	ssyncadd.s32 $0xFFFFF830  }
.LBB2_5:
0x31: {  	s25 =	sshra.s32 s24, $0x2  }
0x32: {  	v12 =	vld [tilespmem:s25+$0x2780];
	_ =	sdelay $0x7  }
0x33: {  	v12 =	vld.idx.msk [tilespmem:v12+s4+$0x0], $0xffff  }
0x34: {  	v13 =	vld [tilespmem:s25+$0x2F80]  }
0x35: {  	v14 =	vld [tilespmem:s25+$0x3780];
	_ =	sdelay $0x1  }
0x36: {  	v15 =	vld [tilespmem:s25+$0x3F80]  }
0x37: {  	v17 =	vld [tilespmem:s25+$0x4780];
	v12 =	vshll.u32 v12, $0x4  }
0x38: {  	v16 =	vor.u32 v0, v12  }
0x39: {  	v18 =	vmul.f32 v14, v13;
	v19 =	vadd.s32 v2, v12  }
0x3a: {  	v21 =	vadd.s32 v3, v12  }
0x3b: {  	v22 =	vmul.f32 v15, v13;
	v20 =	vmul.f32 v18, v14;
	v23 =	vadd.s32 v4, v12  }
0x3c: {  	v13 =	vmul.f32 v17, v13;
	v24 =	vmul.f32 v15, v18;
	v56 =	vadd.s32 v5, v12  }
0x3d: {  	v18 =	vmul.f32 v17, v18;
	v57 =	vadd.s32 v6, v12;
	[tilespmem:v16+s18+$0x0] =	vst.idx.add.f32.msk $0xffff, v20  }
0x3e: {  	v58 =	vmul.f32 v22, v14;
	v59 =	vadd.s32 v7, v12;
	[tilespmem:v19+s18+$0x0] =	vst.idx.add.f32.msk $0xffff, v24  }
0x3f: {  	v60 =	vmul.f32 v22, v15;
	v61 =	vadd.s32 v8, v12;
	[tilespmem:v21+s18+$0x0] =	vst.idx.add.f32.msk $0xffff, v18  }
0x40: {  	v62 =	vmul.f32 v17, v22;
	v63 =	vadd.s32 v9, v12;
	[tilespmem:v23+s18+$0x0] =	vst.idx.add.f32.msk $0xffff, v58  }
0x41: {  	p0 =	sne.s32 s24, $0x1F00;
	v14 =	vmul.f32 v13, v14;
	v12 =	vadd.s32 v10, v12;
	[tilespmem:v56+s18+$0x0] =	vst.idx.add.f32.msk $0xffff, v60  }
.Ltmp1:
0x42: {  	v15 =	vmul.f32 v13, v15;
	[tilespmem:v57+s18+$0x0] =	vst.idx.add.f32.msk $0xffff, v62;
	(pc) =	sbr.rel @p0 .LBB2_5-.Ltmp1, $4  }
0x43: {  	v13 =	vmul.f32 v13, v17;
	[tilespmem:v59+s18+$0x0] =	vst.idx.add.f32.msk $0xffff, v14  }
0x44: {  	[tilespmem:v61+s18+$0x0] =	vst.idx.add.f32.msk $0xffff, v15  }
0x45: {  	[tilespmem:v63+s18+$0x0] =	vst.idx.add.f32.msk $0xffff, v13  }
0x46: {  	s24 =	sadd.s32 $0x40, s24;
	[tilespmem:v12+s18+$0x0] =	vst.idx.add.f32.msk $0xffff, v11  }
0x47: {  	s23 =	sadd.s32 $0x1, s23  }
0x48: {  	p0 =	sne.s32 s23, $0x5  }
.Ltmp2:
0x49: {  	_ = 	snop;
	(pc) =	sbr.rel @p0 .LBB2_4-.Ltmp2, $1  }
0x4a: {  	_ =	sdelay $0x3  }
0x4b: {  	s21 =	sadd.s32 $0x1, s21  }
0x4c: {  	p0 =	sne.s32 s21, s11  }
.Ltmp3:
0x4d: {  	_ = 	snop;
	(pc) =	sbr.rel @p0 .LBB2_1-.Ltmp3, $4  }
0x4e: {  	[hbm4b:s10+s19] =	stream.strided.scatter [tilespmem:s18], [sflag:$0x1], $0x1400, s20, s19, $0x38;
	[tilespmem:$0x6380] =	vst v63  }
0x4f: {  	_ =	swait.ge [sflag:s12], $0x1400  }
0x50: {  	[sflag:s12] =	ssyncset.done $0x0  }
0x51: {  	[sflag:s12] =	ssyncadd.s32 $0xFFFFEC00  }
0x52: {  	_ =	sfence.sel $0x180000  }
0x53: {  	[bflag:$0x0] =	sbarrier.arrive $0xFFFF  }
0x54: {  	p0 =	sne.s32 s1, $0x0;
	_ =	strace $0x90000047  }
0x55: {  	s0 =	sadd.s32 @!p0 $0x100000, s0;
	[bflag:$0x2] =	sbarrier.arrive $0xFFFF  }
0x56: {  	[sflag:s0] =	ssyncadd.tile.s32 @!p0 $0x1;
	_ =	shalt  }
.Lfunc_end2:
_tile_overlayer_lowered:
.L_overlay_start_2:
0x57: {  	(tag) =	ssettag $0x2  }
0x58: {  	s0 =	rddreg [dreg:$0x0];
	s2 =	stileid.u32  }
0x59: {  	s1 =	rddreg [dreg:$0x1];
	p0 =	sne.s32 s2, $0x0  }
0x5a: {  	s3 =	rddreg [dreg:$0x2];
	[bflag:$0x3] =	sbarrier.arrive $0xFFFF;
	s2 =	simm.s32 @!p0 $0x1C01  }
0x5b: {  	[timem:s3], [sflag:s2] =	dma.local @!p0 [hbm:s0], s1  }
0x5c: {  	s0 =	simm.s32 @!p0 $0x1  }
0x5d: {  	_ =	swait.ge @!p0 [sflag:s0], s1  }
0x5e: {  	s1 =	ssub.s32 @!p0 $0x0, s1;
	[sflag:s0] =	ssyncset.done @!p0 $0x0  }
0x5f: {  	[sflag:s0] =	ssyncadd.s32 @!p0 s1  }
0x60: {  	[bflag:$0x3] =	sbarrier.arrive $0xFFFF  }
0x61: {  	_ =	shalt  }

</sc_bundles>
